<compile_context>
chip_gen: v7x
topology: tpu7x:2x2x1
jax: 0.10.2.dev20260603
libtpu: 0.0.44.dev20260713+nightly
codegen_flags: <defaults>
</compile_context>

<pallas_src>
import functools

import jax
import jax.numpy as jnp
from jax import lax
from jax.experimental import pallas as pl
from jax.experimental.pallas import tpu as pltpu
from jax.experimental.pallas import tpu_sc as plsc

_VOCAB = 100000
_DIM = 128
_LEN = 20
_LANES = 16
_CHUNKS = _DIM // _LANES


@functools.partial(
    pl.kernel,
    mesh=plsc.VectorSubcoreMesh(
        core_axis_name="c", subcore_axis_name="s", num_cores=1),
    out_type=jax.ShapeDtypeStruct((1,), jnp.float32),
    scratch_types=[
        pltpu.VMEM((_LEN,), jnp.int32),
        pltpu.VMEM((_LEN,), jnp.int32),
        pltpu.VMEM((_LEN, _DIM), jnp.float32),
        pltpu.VMEM((_LEN, _DIM), jnp.float32),
        pltpu.VMEM((_LANES,), jnp.float32),
        pltpu.SemaphoreType.DMA,
        pltpu.SemaphoreType.DMA,
    ],
)
def _vec_sim_dot_sc(table_hbm, idx1_hbm, idx2_hbm, out_hbm,
                    idx1_v, idx2_v, rows1_v, rows2_v, out_v, sem1, sem2):
    wid = lax.axis_index("s") + lax.axis_index("c")

    @pl.when(wid == 0)
    def _body():
        c1 = pltpu.async_copy(idx1_hbm, idx1_v, sem1)
        c2 = pltpu.async_copy(idx2_hbm, idx2_v, sem2)
        c1.wait()
        g1 = pltpu.async_copy(table_hbm.at[idx1_v], rows1_v, sem1)
        c2.wait()
        g2 = pltpu.async_copy(table_hbm.at[idx2_v], rows2_v, sem2)
        g1.wait()
        g2.wait()

        zero = jnp.zeros((_LANES,), jnp.float32)

        def chunk_body(c, carry):
            dot_a, n1_a, n2_a = carry
            cols = pl.ds(pl.multiple_of(c * _LANES, _LANES), _LANES)
            p1 = rows1_v[0, cols]
            p2 = rows2_v[0, cols]
            for r in range(1, _LEN):
                p1 = p1 * rows1_v[r, cols]
                p2 = p2 * rows2_v[r, cols]
            return (dot_a + p1 * p2, n1_a + p1 * p1, n2_a + p2 * p2)

        dot_v, n1_v, n2_v = lax.fori_loop(
            0, _CHUNKS, chunk_body, (zero, zero, zero))

        dnums = lax.GatherDimensionNumbers(
            offset_dims=(), collapsed_slice_dims=(0,), start_index_map=(0,))

        def lane_sum(v):
            for sh in (8, 4, 2, 1):
                perm = lax.iota(jnp.int32, _LANES) ^ sh
                v = v + lax.gather(
                    v, perm[:, None], dnums, slice_sizes=(1,),
                    mode=lax.GatherScatterMode.PROMISE_IN_BOUNDS)
            return v

        s_dot = lane_sum(dot_v)
        s_n1 = lane_sum(n1_v)
        s_n2 = lane_sum(n2_v)

        x = s_n1 * s_n2
        i = lax.bitcast_convert_type(x, jnp.int32)
        i = jnp.int32(0x5F3759DF) - lax.shift_right_logical(i, 1)
        y = lax.bitcast_convert_type(i, jnp.float32)
        for _ in range(3):
            y = y * (jnp.float32(1.5) - jnp.float32(0.5) * x * y * y)

        out_v[...] = y * s_dot
        pltpu.sync_copy(out_v.at[pl.ds(0, 1)], out_hbm)


def kernel(noun_matrix, X_sentence1, X_sentence2):
    idx1 = X_sentence1.astype(jnp.int32)
    idx2 = X_sentence2.astype(jnp.int32)
    res = _vec_sim_dot_sc(noun_matrix, idx1, idx2)
    return jnp.reshape(res, ())

# --- scband reference (transcript-rebuilt; emitter-appended) ---
"""Pipeline reference for scband-vec-sim-dot-79611513799072 (READ-ONLY COPY).

The authoritative reference and input builder live on the scoring server;
editing this copy changes nothing except your own understanding.
"""

import jax, jax.numpy as jnp
import numpy as np

VOCAB = 100000
EMBED_DIM = 128
SENT_LEN = 20

def setup_inputs(seed: int = 0) -> dict:
    key = jax.random.key(seed)
    k_tab, k_w1, k_w2 = jax.random.split(key, 3)
    noun_matrix = jax.random.normal(k_tab, (VOCAB, EMBED_DIM), dtype=jnp.float32)
    X_sentence1 = jax.random.randint(k_w1, (SENT_LEN,), 0, VOCAB, dtype=jnp.int64)
    X_sentence2 = jax.random.randint(k_w2, (SENT_LEN,), 0, VOCAB, dtype=jnp.int64)
    return {"noun_matrix": noun_matrix, "X_sentence1": X_sentence1, "X_sentence2": X_sentence2}

def _sentence_embed(table, words):
    # Embedding lookup -> [L, D], then product over words (dim 0) -> [D]
    emb = jnp.take(table, words, axis=0)
    return jnp.prod(emb, axis=0)

def reference(noun_matrix, X_sentence1, X_sentence2):
    emb1 = _sentence_embed(noun_matrix, X_sentence1)
    emb2 = _sentence_embed(noun_matrix, X_sentence2)
    dot = jnp.sum(emb1 * emb2)
    output = dot / (jnp.linalg.norm(emb1) * jnp.linalg.norm(emb2))
    return output

if __name__ == "__main__":
    import jax
    _d = setup_inputs()
    print(jax.jit(kernel)(*tuple(_d.values())))

</pallas_src>

<mosaic_0001>
#map = affine_map<(d0, d1) -> (0, 0)>
#map1 = affine_map<(d0, d1) -> (0)>
module attributes {stable_mosaic.version = 14 : i64} {
  func.func @_vec_sim_dot_sc(%arg0: i32, %arg1: i32, %arg2: memref<100000x128xf32, #tpu.memory_space<hbm>>, %arg3: memref<20xi32, #tpu.memory_space<hbm>>, %arg4: memref<20xi32, #tpu.memory_space<hbm>>, %arg5: memref<1xf32, #tpu.memory_space<hbm>>, %arg6: memref<20xi32, #tpu.memory_space<vmem>>, %arg7: memref<20xi32, #tpu.memory_space<vmem>>, %arg8: memref<20x128xf32, #tpu.memory_space<vmem>>, %arg9: memref<20x128xf32, #tpu.memory_space<vmem>>, %arg10: memref<16xf32, #tpu.memory_space<vmem>>, %arg11: memref<!tpu.dma_semaphore, #tpu.memory_space<semaphore_mem>>, %arg12: memref<!tpu.dma_semaphore, #tpu.memory_space<semaphore_mem>>) attributes {dimension_semantics = [#tpu.dimension_semantics<core_parallel>, #tpu.dimension_semantics<subcore_parallel>], iteration_bounds = array<i64: 1, 16>, scalar_prefetch = 0 : i64, scratch_operands = 7 : i64, tpu.core_type = #tpu.core_type<sc_vector_subcore>, window_params = [{transform_indices = #map}, {transform_indices = #map1}, {transform_indices = #map1}, {transform_indices = #map1}]} {
    %add3A = arith.addi %arg1, %arg0 : i32
    %eq3A = arith.constant 0 : i32
    %eq3A_0 = arith.cmpi eq, %add3A, %eq3A : i32
    %convert_element_type3A = arith.extui %eq3A_0 : i1 to i32
    %cond3A = arith.constant 0 : i32
    %cond3A_1 = arith.cmpi ne, %convert_element_type3A, %cond3A : i32
    scf.if %cond3A_1 {
      tpu.enqueue_dma source(%arg3 : memref<20xi32, #tpu.memory_space<hbm>>) target(%arg6 : memref<20xi32, #tpu.memory_space<vmem>>) target_semaphore(%arg11 : memref<!tpu.dma_semaphore, #tpu.memory_space<semaphore_mem>>)
      tpu.enqueue_dma source(%arg4 : memref<20xi32, #tpu.memory_space<hbm>>) target(%arg7 : memref<20xi32, #tpu.memory_space<vmem>>) target_semaphore(%arg12 : memref<!tpu.dma_semaphore, #tpu.memory_space<semaphore_mem>>)
      tpu.wait_dma2 semaphore(%arg11 : memref<!tpu.dma_semaphore, #tpu.memory_space<semaphore_mem>>) src(%arg3 : memref<20xi32, #tpu.memory_space<hbm>>) dst(%arg6 : memref<20xi32, #tpu.memory_space<vmem>>)
      %dma_start3A = arith.constant 0 : i32
      %dma_start3A_2 = arith.constant 0 : i32
      %dma_start3A_3 = tpu.memref_slice %arg2[%dma_start3A, %dma_start3A_2] : memref<100000x128xf32, #tpu.memory_space<hbm>> -> memref<100000x128xf32, #tpu.memory_space<hbm>>
      tpu.enqueue_indirect_dma source(%dma_start3A_3 : memref<100000x128xf32, #tpu.memory_space<hbm>>) target(%arg8 : memref<20x128xf32, #tpu.memory_space<vmem>>) offsets(%arg6 : memref<20xi32, #tpu.memory_space<vmem>>) semaphore(%arg11 : memref<!tpu.dma_semaphore, #tpu.memory_space<semaphore_mem>>)
      tpu.wait_dma2 semaphore(%arg12 : memref<!tpu.dma_semaphore, #tpu.memory_space<semaphore_mem>>) src(%arg4 : memref<20xi32, #tpu.memory_space<hbm>>) dst(%arg7 : memref<20xi32, #tpu.memory_space<vmem>>)
      %dma_start3A_4 = arith.constant 0 : i32
      %dma_start3A_5 = arith.constant 0 : i32
      %dma_start3A_6 = tpu.memref_slice %arg2[%dma_start3A_4, %dma_start3A_5] : memref<100000x128xf32, #tpu.memory_space<hbm>> -> memref<100000x128xf32, #tpu.memory_space<hbm>>
      tpu.enqueue_indirect_dma source(%dma_start3A_6 : memref<100000x128xf32, #tpu.memory_space<hbm>>) target(%arg9 : memref<20x128xf32, #tpu.memory_space<vmem>>) offsets(%arg7 : memref<20xi32, #tpu.memory_space<vmem>>) semaphore(%arg12 : memref<!tpu.dma_semaphore, #tpu.memory_space<semaphore_mem>>)
      %dma_wait3A = arith.constant 0 : i32
      %dma_wait3A_7 = arith.constant 0 : i32
      %dma_wait3A_8 = tpu.memref_slice %arg2[%dma_wait3A, %dma_wait3A_7] : memref<100000x128xf32, #tpu.memory_space<hbm>> -> memref<100000x128xf32, #tpu.memory_space<hbm>>
      tpu.wait_indirect_dma semaphore(%arg11 : memref<!tpu.dma_semaphore, #tpu.memory_space<semaphore_mem>>) src(%dma_wait3A_8 : memref<100000x128xf32, #tpu.memory_space<hbm>>) dst(%arg8 : memref<20x128xf32, #tpu.memory_space<vmem>>)
      %dma_wait3A_9 = arith.constant 0 : i32
      %dma_wait3A_10 = arith.constant 0 : i32
      %dma_wait3A_11 = tpu.memref_slice %arg2[%dma_wait3A_9, %dma_wait3A_10] : memref<100000x128xf32, #tpu.memory_space<hbm>> -> memref<100000x128xf32, #tpu.memory_space<hbm>>
      tpu.wait_indirect_dma semaphore(%arg12 : memref<!tpu.dma_semaphore, #tpu.memory_space<semaphore_mem>>) src(%dma_wait3A_11 : memref<100000x128xf32, #tpu.memory_space<hbm>>) dst(%arg9 : memref<20x128xf32, #tpu.memory_space<vmem>>)
      %broadcast_in_dim3A = arith.constant 0.000000e+00 : f32
      %broadcast_in_dim3A_12 = vector.broadcast %broadcast_in_dim3A : f32 to vector<16xf32>
      %scan3A = arith.constant 0 : i32
      %scan3A_13 = arith.constant 8 : i32
      %scan3A_14 = arith.addi %scan3A, %scan3A_13 : i32
      %scan3A_15 = arith.constant 1 : i32
      %scan3A_16:3 = scf.for %scan3A_147 = %scan3A to %scan3A_14 step %scan3A_15 iter_args(%scan3A_148 = %broadcast_in_dim3A_12, %scan3A_149 = %broadcast_in_dim3A_12, %scan3A_150 = %broadcast_in_dim3A_12) -> (vector<16xf32>, vector<16xf32>, vector<16xf32>)  : i32 {
        %mul3A_151 = arith.constant 16 : i32
        %mul3A_152 = arith.muli %scan3A_147, %mul3A_151 : i32
        %multiple_of3A = tpu.assume_multiple %mul3A_152, 16 : i32
        %get3A = arith.constant 0 : i32
        %get3A_153 = arith.index_cast %get3A : i32 to index
        %get3A_154 = arith.index_cast %multiple_of3A : i32 to index
        %get3A_155 = tpu.vector_load %arg8[%get3A_153, %get3A_154] {strides = array<i32>} : memref<20x128xf32, #tpu.memory_space<vmem>>, vector<1x16xf32>,
        %get3A_156 = vector.shape_cast %get3A_155 : vector<1x16xf32> to vector<16xf32>
        %get3A_157 = arith.constant 0 : i32
        %get3A_158 = arith.index_cast %get3A_157 : i32 to index
        %get3A_159 = arith.index_cast %multiple_of3A : i32 to index
        %get3A_160 = tpu.vector_load %arg9[%get3A_158, %get3A_159] {strides = array<i32>} : memref<20x128xf32, #tpu.memory_space<vmem>>, vector<1x16xf32>,
        %get3A_161 = vector.shape_cast %get3A_160 : vector<1x16xf32> to vector<16xf32>
        %get3A_162 = arith.constant 1 : i32
        %get3A_163 = arith.index_cast %get3A_162 : i32 to index
        %get3A_164 = arith.index_cast %multiple_of3A : i32 to index
        %get3A_165 = tpu.vector_load %arg8[%get3A_163, %get3A_164] {strides = array<i32>} : memref<20x128xf32, #tpu.memory_space<vmem>>, vector<1x16xf32>,
        %get3A_166 = vector.shape_cast %get3A_165 : vector<1x16xf32> to vector<16xf32>
        %mul3A_167 = arith.mulf %get3A_156, %get3A_166 : vector<16xf32>
        %get3A_168 = arith.constant 1 : i32
        %get3A_169 = arith.index_cast %get3A_168 : i32 to index
        %get3A_170 = arith.index_cast %multiple_of3A : i32 to index
        %get3A_171 = tpu.vector_load %arg9[%get3A_169, %get3A_170] {strides = array<i32>} : memref<20x128xf32, #tpu.memory_space<vmem>>, vector<1x16xf32>,
        %get3A_172 = vector.shape_cast %get3A_171 : vector<1x16xf32> to vector<16xf32>
        %mul3A_173 = arith.mulf %get3A_161, %get3A_172 : vector<16xf32>
        %get3A_174 = arith.constant 2 : i32
        %get3A_175 = arith.index_cast %get3A_174 : i32 to index
        %get3A_176 = arith.index_cast %multiple_of3A : i32 to index
        %get3A_177 = tpu.vector_load %arg8[%get3A_175, %get3A_176] {strides = array<i32>} : memref<20x128xf32, #tpu.memory_space<vmem>>, vector<1x16xf32>,
        %get3A_178 = vector.shape_cast %get3A_177 : vector<1x16xf32> to vector<16xf32>
        %mul3A_179 = arith.mulf %mul3A_167, %get3A_178 : vector<16xf32>
        %get3A_180 = arith.constant 2 : i32
        %get3A_181 = arith.index_cast %get3A_180 : i32 to index
        %get3A_182 = arith.index_cast %multiple_of3A : i32 to index
        %get3A_183 = tpu.vector_load %arg9[%get3A_181, %get3A_182] {strides = array<i32>} : memref<20x128xf32, #tpu.memory_space<vmem>>, vector<1x16xf32>,
        %get3A_184 = vector.shape_cast %get3A_183 : vector<1x16xf32> to vector<16xf32>
        %mul3A_185 = arith.mulf %mul3A_173, %get3A_184 : vector<16xf32>
        %get3A_186 = arith.constant 3 : i32
        %get3A_187 = arith.index_cast %get3A_186 : i32 to index
        %get3A_188 = arith.index_cast %multiple_of3A : i32 to index
        %get3A_189 = tpu.vector_load %arg8[%get3A_187, %get3A_188] {strides = array<i32>} : memref<20x128xf32, #tpu.memory_space<vmem>>, vector<1x16xf32>,
        %get3A_190 = vector.shape_cast %get3A_189 : vector<1x16xf32> to vector<16xf32>
        %mul3A_191 = arith.mulf %mul3A_179, %get3A_190 : vector<16xf32>
        %get3A_192 = arith.constant 3 : i32
        %get3A_193 = arith.index_cast %get3A_192 : i32 to index
        %get3A_194 = arith.index_cast %multiple_of3A : i32 to index
        %get3A_195 = tpu.vector_load %arg9[%get3A_193, %get3A_194] {strides = array<i32>} : memref<20x128xf32, #tpu.memory_space<vmem>>, vector<1x16xf32>,
        %get3A_196 = vector.shape_cast %get3A_195 : vector<1x16xf32> to vector<16xf32>
        %mul3A_197 = arith.mulf %mul3A_185, %get3A_196 : vector<16xf32>
        %get3A_198 = arith.constant 4 : i32
        %get3A_199 = arith.index_cast %get3A_198 : i32 to index
        %get3A_200 = arith.index_cast %multiple_of3A : i32 to index
        %get3A_201 = tpu.vector_load %arg8[%get3A_199, %get3A_200] {strides = array<i32>} : memref<20x128xf32, #tpu.memory_space<vmem>>, vector<1x16xf32>,
        %get3A_202 = vector.shape_cast %get3A_201 : vector<1x16xf32> to vector<16xf32>
        %mul3A_203 = arith.mulf %mul3A_191, %get3A_202 : vector<16xf32>
        %get3A_204 = arith.constant 4 : i32
        %get3A_205 = arith.index_cast %get3A_204 : i32 to index
        %get3A_206 = arith.index_cast %multiple_of3A : i32 to index
        %get3A_207 = tpu.vector_load %arg9[%get3A_205, %get3A_206] {strides = array<i32>} : memref<20x128xf32, #tpu.memory_space<vmem>>, vector<1x16xf32>,
        %get3A_208 = vector.shape_cast %get3A_207 : vector<1x16xf32> to vector<16xf32>
        %mul3A_209 = arith.mulf %mul3A_197, %get3A_208 : vector<16xf32>
        %get3A_210 = arith.constant 5 : i32
        %get3A_211 = arith.index_cast %get3A_210 : i32 to index
        %get3A_212 = arith.index_cast %multiple_of3A : i32 to index
        %get3A_213 = tpu.vector_load %arg8[%get3A_211, %get3A_212] {strides = array<i32>} : memref<20x128xf32, #tpu.memory_space<vmem>>, vector<1x16xf32>,
        %get3A_214 = vector.shape_cast %get3A_213 : vector<1x16xf32> to vector<16xf32>
        %mul3A_215 = arith.mulf %mul3A_203, %get3A_214 : vector<16xf32>
        %get3A_216 = arith.constant 5 : i32
        %get3A_217 = arith.index_cast %get3A_216 : i32 to index
        %get3A_218 = arith.index_cast %multiple_of3A : i32 to index
        %get3A_219 = tpu.vector_load %arg9[%get3A_217, %get3A_218] {strides = array<i32>} : memref<20x128xf32, #tpu.memory_space<vmem>>, vector<1x16xf32>,
        %get3A_220 = vector.shape_cast %get3A_219 : vector<1x16xf32> to vector<16xf32>
        %mul3A_221 = arith.mulf %mul3A_209, %get3A_220 : vector<16xf32>
        %get3A_222 = arith.constant 6 : i32
        %get3A_223 = arith.index_cast %get3A_222 : i32 to index
        %get3A_224 = arith.index_cast %multiple_of3A : i32 to index
        %get3A_225 = tpu.vector_load %arg8[%get3A_223, %get3A_224] {strides = array<i32>} : memref<20x128xf32, #tpu.memory_space<vmem>>, vector<1x16xf32>,
        %get3A_226 = vector.shape_cast %get3A_225 : vector<1x16xf32> to vector<16xf32>
        %mul3A_227 = arith.mulf %mul3A_215, %get3A_226 : vector<16xf32>
        %get3A_228 = arith.constant 6 : i32
        %get3A_229 = arith.index_cast %get3A_228 : i32 to index
        %get3A_230 = arith.index_cast %multiple_of3A : i32 to index
        %get3A_231 = tpu.vector_load %arg9[%get3A_229, %get3A_230] {strides = array<i32>} : memref<20x128xf32, #tpu.memory_space<vmem>>, vector<1x16xf32>,
        %get3A_232 = vector.shape_cast %get3A_231 : vector<1x16xf32> to vector<16xf32>
        %mul3A_233 = arith.mulf %mul3A_221, %get3A_232 : vector<16xf32>
        %get3A_234 = arith.constant 7 : i32
        %get3A_235 = arith.index_cast %get3A_234 : i32 to index
        %get3A_236 = arith.index_cast %multiple_of3A : i32 to index
        %get3A_237 = tpu.vector_load %arg8[%get3A_235, %get3A_236] {strides = array<i32>} : memref<20x128xf32, #tpu.memory_space<vmem>>, vector<1x16xf32>,
        %get3A_238 = vector.shape_cast %get3A_237 : vector<1x16xf32> to vector<16xf32>
        %mul3A_239 = arith.mulf %mul3A_227, %get3A_238 : vector<16xf32>
        %get3A_240 = arith.constant 7 : i32
        %get3A_241 = arith.index_cast %get3A_240 : i32 to index
        %get3A_242 = arith.index_cast %multiple_of3A : i32 to index
        %get3A_243 = tpu.vector_load %arg9[%get3A_241, %get3A_242] {strides = array<i32>} : memref<20x128xf32, #tpu.memory_space<vmem>>, vector<1x16xf32>,
        %get3A_244 = vector.shape_cast %get3A_243 : vector<1x16xf32> to vector<16xf32>
        %mul3A_245 = arith.mulf %mul3A_233, %get3A_244 : vector<16xf32>
        %get3A_246 = arith.constant 8 : i32
        %get3A_247 = arith.index_cast %get3A_246 : i32 to index
        %get3A_248 = arith.index_cast %multiple_of3A : i32 to index
        %get3A_249 = tpu.vector_load %arg8[%get3A_247, %get3A_248] {strides = array<i32>} : memref<20x128xf32, #tpu.memory_space<vmem>>, vector<1x16xf32>,
        %get3A_250 = vector.shape_cast %get3A_249 : vector<1x16xf32> to vector<16xf32>
        %mul3A_251 = arith.mulf %mul3A_239, %get3A_250 : vector<16xf32>
        %get3A_252 = arith.constant 8 : i32
        %get3A_253 = arith.index_cast %get3A_252 : i32 to index
        %get3A_254 = arith.index_cast %multiple_of3A : i32 to index
        %get3A_255 = tpu.vector_load %arg9[%get3A_253, %get3A_254] {strides = array<i32>} : memref<20x128xf32, #tpu.memory_space<vmem>>, vector<1x16xf32>,
        %get3A_256 = vector.shape_cast %get3A_255 : vector<1x16xf32> to vector<16xf32>
        %mul3A_257 = arith.mulf %mul3A_245, %get3A_256 : vector<16xf32>
        %get3A_258 = arith.constant 9 : i32
        %get3A_259 = arith.index_cast %get3A_258 : i32 to index
        %get3A_260 = arith.index_cast %multiple_of3A : i32 to index
        %get3A_261 = tpu.vector_load %arg8[%get3A_259, %get3A_260] {strides = array<i32>} : memref<20x128xf32, #tpu.memory_space<vmem>>, vector<1x16xf32>,
        %get3A_262 = vector.shape_cast %get3A_261 : vector<1x16xf32> to vector<16xf32>
        %mul3A_263 = arith.mulf %mul3A_251, %get3A_262 : vector<16xf32>
        %get3A_264 = arith.constant 9 : i32
        %get3A_265 = arith.index_cast %get3A_264 : i32 to index
        %get3A_266 = arith.index_cast %multiple_of3A : i32 to index
        %get3A_267 = tpu.vector_load %arg9[%get3A_265, %get3A_266] {strides = array<i32>} : memref<20x128xf32, #tpu.memory_space<vmem>>, vector<1x16xf32>,
        %get3A_268 = vector.shape_cast %get3A_267 : vector<1x16xf32> to vector<16xf32>
        %mul3A_269 = arith.mulf %mul3A_257, %get3A_268 : vector<16xf32>
        %get3A_270 = arith.constant 10 : i32
        %get3A_271 = arith.index_cast %get3A_270 : i32 to index
        %get3A_272 = arith.index_cast %multiple_of3A : i32 to index
        %get3A_273 = tpu.vector_load %arg8[%get3A_271, %get3A_272] {strides = array<i32>} : memref<20x128xf32, #tpu.memory_space<vmem>>, vector<1x16xf32>,
        %get3A_274 = vector.shape_cast %get3A_273 : vector<1x16xf32> to vector<16xf32>
        %mul3A_275 = arith.mulf %mul3A_263, %get3A_274 : vector<16xf32>
        %get3A_276 = arith.constant 10 : i32
        %get3A_277 = arith.index_cast %get3A_276 : i32 to index
        %get3A_278 = arith.index_cast %multiple_of3A : i32 to index
        %get3A_279 = tpu.vector_load %arg9[%get3A_277, %get3A_278] {strides = array<i32>} : memref<20x128xf32, #tpu.memory_space<vmem>>, vector<1x16xf32>,
        %get3A_280 = vector.shape_cast %get3A_279 : vector<1x16xf32> to vector<16xf32>
        %mul3A_281 = arith.mulf %mul3A_269, %get3A_280 : vector<16xf32>
        %get3A_282 = arith.constant 11 : i32
        %get3A_283 = arith.index_cast %get3A_282 : i32 to index
        %get3A_284 = arith.index_cast %multiple_of3A : i32 to index
        %get3A_285 = tpu.vector_load %arg8[%get3A_283, %get3A_284] {strides = array<i32>} : memref<20x128xf32, #tpu.memory_space<vmem>>, vector<1x16xf32>,
        %get3A_286 = vector.shape_cast %get3A_285 : vector<1x16xf32> to vector<16xf32>
        %mul3A_287 = arith.mulf %mul3A_275, %get3A_286 : vector<16xf32>
        %get3A_288 = arith.constant 11 : i32
        %get3A_289 = arith.index_cast %get3A_288 : i32 to index
        %get3A_290 = arith.index_cast %multiple_of3A : i32 to index
        %get3A_291 = tpu.vector_load %arg9[%get3A_289, %get3A_290] {strides = array<i32>} : memref<20x128xf32, #tpu.memory_space<vmem>>, vector<1x16xf32>,
        %get3A_292 = vector.shape_cast %get3A_291 : vector<1x16xf32> to vector<16xf32>
        %mul3A_293 = arith.mulf %mul3A_281, %get3A_292 : vector<16xf32>
        %get3A_294 = arith.constant 12 : i32
        %get3A_295 = arith.index_cast %get3A_294 : i32 to index
        %get3A_296 = arith.index_cast %multiple_of3A : i32 to index
        %get3A_297 = tpu.vector_load %arg8[%get3A_295, %get3A_296] {strides = array<i32>} : memref<20x128xf32, #tpu.memory_space<vmem>>, vector<1x16xf32>,
        %get3A_298 = vector.shape_cast %get3A_297 : vector<1x16xf32> to vector<16xf32>
        %mul3A_299 = arith.mulf %mul3A_287, %get3A_298 : vector<16xf32>
        %get3A_300 = arith.constant 12 : i32
        %get3A_301 = arith.index_cast %get3A_300 : i32 to index
        %get3A_302 = arith.index_cast %multiple_of3A : i32 to index
        %get3A_303 = tpu.vector_load %arg9[%get3A_301, %get3A_302] {strides = array<i32>} : memref<20x128xf32, #tpu.memory_space<vmem>>, vector<1x16xf32>,
        %get3A_304 = vector.shape_cast %get3A_303 : vector<1x16xf32> to vector<16xf32>
        %mul3A_305 = arith.mulf %mul3A_293, %get3A_304 : vector<16xf32>
        %get3A_306 = arith.constant 13 : i32
        %get3A_307 = arith.index_cast %get3A_306 : i32 to index
        %get3A_308 = arith.index_cast %multiple_of3A : i32 to index
        %get3A_309 = tpu.vector_load %arg8[%get3A_307, %get3A_308] {strides = array<i32>} : memref<20x128xf32, #tpu.memory_space<vmem>>, vector<1x16xf32>,
        %get3A_310 = vector.shape_cast %get3A_309 : vector<1x16xf32> to vector<16xf32>
        %mul3A_311 = arith.mulf %mul3A_299, %get3A_310 : vector<16xf32>
        %get3A_312 = arith.constant 13 : i32
        %get3A_313 = arith.index_cast %get3A_312 : i32 to index
        %get3A_314 = arith.index_cast %multiple_of3A : i32 to index
        %get3A_315 = tpu.vector_load %arg9[%get3A_313, %get3A_314] {strides = array<i32>} : memref<20x128xf32, #tpu.memory_space<vmem>>, vector<1x16xf32>,
        %get3A_316 = vector.shape_cast %get3A_315 : vector<1x16xf32> to vector<16xf32>
        %mul3A_317 = arith.mulf %mul3A_305, %get3A_316 : vector<16xf32>
        %get3A_318 = arith.constant 14 : i32
        %get3A_319 = arith.index_cast %get3A_318 : i32 to index
        %get3A_320 = arith.index_cast %multiple_of3A : i32 to index
        %get3A_321 = tpu.vector_load %arg8[%get3A_319, %get3A_320] {strides = array<i32>} : memref<20x128xf32, #tpu.memory_space<vmem>>, vector<1x16xf32>,
        %get3A_322 = vector.shape_cast %get3A_321 : vector<1x16xf32> to vector<16xf32>
        %mul3A_323 = arith.mulf %mul3A_311, %get3A_322 : vector<16xf32>
        %get3A_324 = arith.constant 14 : i32
        %get3A_325 = arith.index_cast %get3A_324 : i32 to index
        %get3A_326 = arith.index_cast %multiple_of3A : i32 to index
        %get3A_327 = tpu.vector_load %arg9[%get3A_325, %get3A_326] {strides = array<i32>} : memref<20x128xf32, #tpu.memory_space<vmem>>, vector<1x16xf32>,
        %get3A_328 = vector.shape_cast %get3A_327 : vector<1x16xf32> to vector<16xf32>
        %mul3A_329 = arith.mulf %mul3A_317, %get3A_328 : vector<16xf32>
        %get3A_330 = arith.constant 15 : i32
        %get3A_331 = arith.index_cast %get3A_330 : i32 to index
        %get3A_332 = arith.index_cast %multiple_of3A : i32 to index
        %get3A_333 = tpu.vector_load %arg8[%get3A_331, %get3A_332] {strides = array<i32>} : memref<20x128xf32, #tpu.memory_space<vmem>>, vector<1x16xf32>,
        %get3A_334 = vector.shape_cast %get3A_333 : vector<1x16xf32> to vector<16xf32>
        %mul3A_335 = arith.mulf %mul3A_323, %get3A_334 : vector<16xf32>
        %get3A_336 = arith.constant 15 : i32
        %get3A_337 = arith.index_cast %get3A_336 : i32 to index
        %get3A_338 = arith.index_cast %multiple_of3A : i32 to index
        %get3A_339 = tpu.vector_load %arg9[%get3A_337, %get3A_338] {strides = array<i32>} : memref<20x128xf32, #tpu.memory_space<vmem>>, vector<1x16xf32>,
        %get3A_340 = vector.shape_cast %get3A_339 : vector<1x16xf32> to vector<16xf32>
        %mul3A_341 = arith.mulf %mul3A_329, %get3A_340 : vector<16xf32>
        %get3A_342 = arith.constant 16 : i32
        %get3A_343 = arith.index_cast %get3A_342 : i32 to index
        %get3A_344 = arith.index_cast %multiple_of3A : i32 to index
        %get3A_345 = tpu.vector_load %arg8[%get3A_343, %get3A_344] {strides = array<i32>} : memref<20x128xf32, #tpu.memory_space<vmem>>, vector<1x16xf32>,
        %get3A_346 = vector.shape_cast %get3A_345 : vector<1x16xf32> to vector<16xf32>
        %mul3A_347 = arith.mulf %mul3A_335, %get3A_346 : vector<16xf32>
        %get3A_348 = arith.constant 16 : i32
        %get3A_349 = arith.index_cast %get3A_348 : i32 to index
        %get3A_350 = arith.index_cast %multiple_of3A : i32 to index
        %get3A_351 = tpu.vector_load %arg9[%get3A_349, %get3A_350] {strides = array<i32>} : memref<20x128xf32, #tpu.memory_space<vmem>>, vector<1x16xf32>,
        %get3A_352 = vector.shape_cast %get3A_351 : vector<1x16xf32> to vector<16xf32>
        %mul3A_353 = arith.mulf %mul3A_341, %get3A_352 : vector<16xf32>
        %get3A_354 = arith.constant 17 : i32
        %get3A_355 = arith.index_cast %get3A_354 : i32 to index
        %get3A_356 = arith.index_cast %multiple_of3A : i32 to index
        %get3A_357 = tpu.vector_load %arg8[%get3A_355, %get3A_356] {strides = array<i32>} : memref<20x128xf32, #tpu.memory_space<vmem>>, vector<1x16xf32>,
        %get3A_358 = vector.shape_cast %get3A_357 : vector<1x16xf32> to vector<16xf32>
        %mul3A_359 = arith.mulf %mul3A_347, %get3A_358 : vector<16xf32>
        %get3A_360 = arith.constant 17 : i32
        %get3A_361 = arith.index_cast %get3A_360 : i32 to index
        %get3A_362 = arith.index_cast %multiple_of3A : i32 to index
        %get3A_363 = tpu.vector_load %arg9[%get3A_361, %get3A_362] {strides = array<i32>} : memref<20x128xf32, #tpu.memory_space<vmem>>, vector<1x16xf32>,
        %get3A_364 = vector.shape_cast %get3A_363 : vector<1x16xf32> to vector<16xf32>
        %mul3A_365 = arith.mulf %mul3A_353, %get3A_364 : vector<16xf32>
        %get3A_366 = arith.constant 18 : i32
        %get3A_367 = arith.index_cast %get3A_366 : i32 to index
        %get3A_368 = arith.index_cast %multiple_of3A : i32 to index
        %get3A_369 = tpu.vector_load %arg8[%get3A_367, %get3A_368] {strides = array<i32>} : memref<20x128xf32, #tpu.memory_space<vmem>>, vector<1x16xf32>,
        %get3A_370 = vector.shape_cast %get3A_369 : vector<1x16xf32> to vector<16xf32>
        %mul3A_371 = arith.mulf %mul3A_359, %get3A_370 : vector<16xf32>
        %get3A_372 = arith.constant 18 : i32
        %get3A_373 = arith.index_cast %get3A_372 : i32 to index
        %get3A_374 = arith.index_cast %multiple_of3A : i32 to index
        %get3A_375 = tpu.vector_load %arg9[%get3A_373, %get3A_374] {strides = array<i32>} : memref<20x128xf32, #tpu.memory_space<vmem>>, vector<1x16xf32>,
        %get3A_376 = vector.shape_cast %get3A_375 : vector<1x16xf32> to vector<16xf32>
        %mul3A_377 = arith.mulf %mul3A_365, %get3A_376 : vector<16xf32>
        %get3A_378 = arith.constant 19 : i32
        %get3A_379 = arith.index_cast %get3A_378 : i32 to index
        %get3A_380 = arith.index_cast %multiple_of3A : i32 to index
        %get3A_381 = tpu.vector_load %arg8[%get3A_379, %get3A_380] {strides = array<i32>} : memref<20x128xf32, #tpu.memory_space<vmem>>, vector<1x16xf32>,
        %get3A_382 = vector.shape_cast %get3A_381 : vector<1x16xf32> to vector<16xf32>
        %mul3A_383 = arith.mulf %mul3A_371, %get3A_382 : vector<16xf32>
        %get3A_384 = arith.constant 19 : i32
        %get3A_385 = arith.index_cast %get3A_384 : i32 to index
        %get3A_386 = arith.index_cast %multiple_of3A : i32 to index
        %get3A_387 = tpu.vector_load %arg9[%get3A_385, %get3A_386] {strides = array<i32>} : memref<20x128xf32, #tpu.memory_space<vmem>>, vector<1x16xf32>,
        %get3A_388 = vector.shape_cast %get3A_387 : vector<1x16xf32> to vector<16xf32>
        %mul3A_389 = arith.mulf %mul3A_377, %get3A_388 : vector<16xf32>
        %mul3A_390 = arith.mulf %mul3A_383, %mul3A_389 : vector<16xf32>
        %add3A_391 = arith.addf %scan3A_148, %mul3A_390 : vector<16xf32>
        %mul3A_392 = arith.mulf %mul3A_383, %mul3A_383 : vector<16xf32>
        %add3A_393 = arith.addf %scan3A_149, %mul3A_392 : vector<16xf32>
        %mul3A_394 = arith.mulf %mul3A_389, %mul3A_389 : vector<16xf32>
        %add3A_395 = arith.addf %scan3A_150, %mul3A_394 : vector<16xf32>
        scf.yield %add3A_391, %add3A_393, %add3A_395 : vector<16xf32>, vector<16xf32>, vector<16xf32>
      }
      %scan3A_17 = arith.constant 8 : i32
      %iota3A = tpu.iota {dimensions = array<i32: 0>} : vector<16xi32>
      %xor3A = arith.constant 8 : i32
      %xor3A_18 = vector.broadcast %xor3A : i32 to vector<16xi32>
      %xor3A_19 = arith.xori %iota3A, %xor3A_18 : vector<16xi32>
      %broadcast_in_dim3A_20 = vector.shape_cast %xor3A_19 : vector<16xi32> to vector<16x1xi32>
      %gather3A = vector.shape_cast %broadcast_in_dim3A_20 : vector<16x1xi32> to vector<16xi32>
      %gather3A_21 = tpu.dynamic_gather %scan3A_16#0[%gather3A] in [0] : vector<16xf32>, vector<16xi32> -> vector<16xf32>
      %add3A_22 = arith.addf %scan3A_16#0, %gather3A_21 : vector<16xf32>
      %iota3A_23 = tpu.iota {dimensions = array<i32: 0>} : vector<16xi32>
      %xor3A_24 = arith.constant 4 : i32
      %xor3A_25 = vector.broadcast %xor3A_24 : i32 to vector<16xi32>
      %xor3A_26 = arith.xori %iota3A_23, %xor3A_25 : vector<16xi32>
      %broadcast_in_dim3A_27 = vector.shape_cast %xor3A_26 : vector<16xi32> to vector<16x1xi32>
      %gather3A_28 = vector.shape_cast %broadcast_in_dim3A_27 : vector<16x1xi32> to vector<16xi32>
      %gather3A_29 = tpu.dynamic_gather %add3A_22[%gather3A_28] in [0] : vector<16xf32>, vector<16xi32> -> vector<16xf32>
      %add3A_30 = arith.addf %add3A_22, %gather3A_29 : vector<16xf32>
      %iota3A_31 = tpu.iota {dimensions = array<i32: 0>} : vector<16xi32>
      %xor3A_32 = arith.constant 2 : i32
      %xor3A_33 = vector.broadcast %xor3A_32 : i32 to vector<16xi32>
      %xor3A_34 = arith.xori %iota3A_31, %xor3A_33 : vector<16xi32>
      %broadcast_in_dim3A_35 = vector.shape_cast %xor3A_34 : vector<16xi32> to vector<16x1xi32>
      %gather3A_36 = vector.shape_cast %broadcast_in_dim3A_35 : vector<16x1xi32> to vector<16xi32>
      %gather3A_37 = tpu.dynamic_gather %add3A_30[%gather3A_36] in [0] : vector<16xf32>, vector<16xi32> -> vector<16xf32>
      %add3A_38 = arith.addf %add3A_30, %gather3A_37 : vector<16xf32>
      %iota3A_39 = tpu.iota {dimensions = array<i32: 0>} : vector<16xi32>
      %xor3A_40 = arith.constant 1 : i32
      %xor3A_41 = vector.broadcast %xor3A_40 : i32 to vector<16xi32>
      %xor3A_42 = arith.xori %iota3A_39, %xor3A_41 : vector<16xi32>
      %broadcast_in_dim3A_43 = vector.shape_cast %xor3A_42 : vector<16xi32> to vector<16x1xi32>
      %gather3A_44 = vector.shape_cast %broadcast_in_dim3A_43 : vector<16x1xi32> to vector<16xi32>
      %gather3A_45 = tpu.dynamic_gather %add3A_38[%gather3A_44] in [0] : vector<16xf32>, vector<16xi32> -> vector<16xf32>
      %add3A_46 = arith.addf %add3A_38, %gather3A_45 : vector<16xf32>
      %iota3A_47 = tpu.iota {dimensions = array<i32: 0>} : vector<16xi32>
      %xor3A_48 = arith.constant 8 : i32
      %xor3A_49 = vector.broadcast %xor3A_48 : i32 to vector<16xi32>
      %xor3A_50 = arith.xori %iota3A_47, %xor3A_49 : vector<16xi32>
      %broadcast_in_dim3A_51 = vector.shape_cast %xor3A_50 : vector<16xi32> to vector<16x1xi32>
      %gather3A_52 = vector.shape_cast %broadcast_in_dim3A_51 : vector<16x1xi32> to vector<16xi32>
      %gather3A_53 = tpu.dynamic_gather %scan3A_16#1[%gather3A_52] in [0] : vector<16xf32>, vector<16xi32> -> vector<16xf32>
      %add3A_54 = arith.addf %scan3A_16#1, %gather3A_53 : vector<16xf32>
      %iota3A_55 = tpu.iota {dimensions = array<i32: 0>} : vector<16xi32>
      %xor3A_56 = arith.constant 4 : i32
      %xor3A_57 = vector.broadcast %xor3A_56 : i32 to vector<16xi32>
      %xor3A_58 = arith.xori %iota3A_55, %xor3A_57 : vector<16xi32>
      %broadcast_in_dim3A_59 = vector.shape_cast %xor3A_58 : vector<16xi32> to vector<16x1xi32>
      %gather3A_60 = vector.shape_cast %broadcast_in_dim3A_59 : vector<16x1xi32> to vector<16xi32>
      %gather3A_61 = tpu.dynamic_gather %add3A_54[%gather3A_60] in [0] : vector<16xf32>, vector<16xi32> -> vector<16xf32>
      %add3A_62 = arith.addf %add3A_54, %gather3A_61 : vector<16xf32>
      %iota3A_63 = tpu.iota {dimensions = array<i32: 0>} : vector<16xi32>
      %xor3A_64 = arith.constant 2 : i32
      %xor3A_65 = vector.broadcast %xor3A_64 : i32 to vector<16xi32>
      %xor3A_66 = arith.xori %iota3A_63, %xor3A_65 : vector<16xi32>
      %broadcast_in_dim3A_67 = vector.shape_cast %xor3A_66 : vector<16xi32> to vector<16x1xi32>
      %gather3A_68 = vector.shape_cast %broadcast_in_dim3A_67 : vector<16x1xi32> to vector<16xi32>
      %gather3A_69 = tpu.dynamic_gather %add3A_62[%gather3A_68] in [0] : vector<16xf32>, vector<16xi32> -> vector<16xf32>
      %add3A_70 = arith.addf %add3A_62, %gather3A_69 : vector<16xf32>
      %iota3A_71 = tpu.iota {dimensions = array<i32: 0>} : vector<16xi32>
      %xor3A_72 = arith.constant 1 : i32
      %xor3A_73 = vector.broadcast %xor3A_72 : i32 to vector<16xi32>
      %xor3A_74 = arith.xori %iota3A_71, %xor3A_73 : vector<16xi32>
      %broadcast_in_dim3A_75 = vector.shape_cast %xor3A_74 : vector<16xi32> to vector<16x1xi32>
      %gather3A_76 = vector.shape_cast %broadcast_in_dim3A_75 : vector<16x1xi32> to vector<16xi32>
      %gather3A_77 = tpu.dynamic_gather %add3A_70[%gather3A_76] in [0] : vector<16xf32>, vector<16xi32> -> vector<16xf32>
      %add3A_78 = arith.addf %add3A_70, %gather3A_77 : vector<16xf32>
      %iota3A_79 = tpu.iota {dimensions = array<i32: 0>} : vector<16xi32>
      %xor3A_80 = arith.constant 8 : i32
      %xor3A_81 = vector.broadcast %xor3A_80 : i32 to vector<16xi32>
      %xor3A_82 = arith.xori %iota3A_79, %xor3A_81 : vector<16xi32>
      %broadcast_in_dim3A_83 = vector.shape_cast %xor3A_82 : vector<16xi32> to vector<16x1xi32>
      %gather3A_84 = vector.shape_cast %broadcast_in_dim3A_83 : vector<16x1xi32> to vector<16xi32>
      %gather3A_85 = tpu.dynamic_gather %scan3A_16#2[%gather3A_84] in [0] : vector<16xf32>, vector<16xi32> -> vector<16xf32>
      %add3A_86 = arith.addf %scan3A_16#2, %gather3A_85 : vector<16xf32>
      %iota3A_87 = tpu.iota {dimensions = array<i32: 0>} : vector<16xi32>
      %xor3A_88 = arith.constant 4 : i32
      %xor3A_89 = vector.broadcast %xor3A_88 : i32 to vector<16xi32>
      %xor3A_90 = arith.xori %iota3A_87, %xor3A_89 : vector<16xi32>
      %broadcast_in_dim3A_91 = vector.shape_cast %xor3A_90 : vector<16xi32> to vector<16x1xi32>
      %gather3A_92 = vector.shape_cast %broadcast_in_dim3A_91 : vector<16x1xi32> to vector<16xi32>
      %gather3A_93 = tpu.dynamic_gather %add3A_86[%gather3A_92] in [0] : vector<16xf32>, vector<16xi32> -> vector<16xf32>
      %add3A_94 = arith.addf %add3A_86, %gather3A_93 : vector<16xf32>
      %iota3A_95 = tpu.iota {dimensions = array<i32: 0>} : vector<16xi32>
      %xor3A_96 = arith.constant 2 : i32
      %xor3A_97 = vector.broadcast %xor3A_96 : i32 to vector<16xi32>
      %xor3A_98 = arith.xori %iota3A_95, %xor3A_97 : vector<16xi32>
      %broadcast_in_dim3A_99 = vector.shape_cast %xor3A_98 : vector<16xi32> to vector<16x1xi32>
      %gather3A_100 = vector.shape_cast %broadcast_in_dim3A_99 : vector<16x1xi32> to vector<16xi32>
      %gather3A_101 = tpu.dynamic_gather %add3A_94[%gather3A_100] in [0] : vector<16xf32>, vector<16xi32> -> vector<16xf32>
      %add3A_102 = arith.addf %add3A_94, %gather3A_101 : vector<16xf32>
      %iota3A_103 = tpu.iota {dimensions = array<i32: 0>} : vector<16xi32>
      %xor3A_104 = arith.constant 1 : i32
      %xor3A_105 = vector.broadcast %xor3A_104 : i32 to vector<16xi32>
      %xor3A_106 = arith.xori %iota3A_103, %xor3A_105 : vector<16xi32>
      %broadcast_in_dim3A_107 = vector.shape_cast %xor3A_106 : vector<16xi32> to vector<16x1xi32>
      %gather3A_108 = vector.shape_cast %broadcast_in_dim3A_107 : vector<16x1xi32> to vector<16xi32>
      %gather3A_109 = tpu.dynamic_gather %add3A_102[%gather3A_108] in [0] : vector<16xf32>, vector<16xi32> -> vector<16xf32>
      %add3A_110 = arith.addf %add3A_102, %gather3A_109 : vector<16xf32>
      %mul3A = arith.mulf %add3A_78, %add3A_110 : vector<16xf32>
      %bitcast_convert_type3A = tpu.bitcast %mul3A : vector<16xf32> -> vector<16xi32>
      %shift_right_logical3A = arith.constant 1 : i32
      %shift_right_logical3A_111 = vector.broadcast %shift_right_logical3A : i32 to vector<16xi32>
      %shift_right_logical3A_112 = arith.shrui %bitcast_convert_type3A, %shift_right_logical3A_111 : vector<16xi32>
      %sub3A = arith.constant 1597463007 : i32
      %sub3A_113 = vector.broadcast %sub3A : i32 to vector<16xi32>
      %sub3A_114 = arith.subi %sub3A_113, %shift_right_logical3A_112 : vector<16xi32>
      %bitcast_convert_type3A_115 = tpu.bitcast %sub3A_114 : vector<16xi32> -> vector<16xf32>
      %mul3A_116 = arith.constant 5.000000e-01 : f32
      %mul3A_117 = vector.broadcast %mul3A_116 : f32 to vector<16xf32>
      %mul3A_118 = arith.mulf %mul3A_117, %mul3A : vector<16xf32>
      %mul3A_119 = arith.mulf %mul3A_118, %bitcast_convert_type3A_115 : vector<16xf32>
      %mul3A_120 = arith.mulf %mul3A_119, %bitcast_convert_type3A_115 : vector<16xf32>
      %sub3A_121 = arith.constant 1.500000e+00 : f32
      %sub3A_122 = vector.broadcast %sub3A_121 : f32 to vector<16xf32>
      %sub3A_123 = arith.subf %sub3A_122, %mul3A_120 : vector<16xf32>
      %mul3A_124 = arith.mulf %bitcast_convert_type3A_115, %sub3A_123 : vector<16xf32>
      %mul3A_125 = arith.constant 5.000000e-01 : f32
      %mul3A_126 = vector.broadcast %mul3A_125 : f32 to vector<16xf32>
      %mul3A_127 = arith.mulf %mul3A_126, %mul3A : vector<16xf32>
      %mul3A_128 = arith.mulf %mul3A_127, %mul3A_124 : vector<16xf32>
      %mul3A_129 = arith.mulf %mul3A_128, %mul3A_124 : vector<16xf32>
      %sub3A_130 = arith.constant 1.500000e+00 : f32
      %sub3A_131 = vector.broadcast %sub3A_130 : f32 to vector<16xf32>
      %sub3A_132 = arith.subf %sub3A_131, %mul3A_129 : vector<16xf32>
      %mul3A_133 = arith.mulf %mul3A_124, %sub3A_132 : vector<16xf32>
      %mul3A_134 = arith.constant 5.000000e-01 : f32
      %mul3A_135 = vector.broadcast %mul3A_134 : f32 to vector<16xf32>
      %mul3A_136 = arith.mulf %mul3A_135, %mul3A : vector<16xf32>
      %mul3A_137 = arith.mulf %mul3A_136, %mul3A_133 : vector<16xf32>
      %mul3A_138 = arith.mulf %mul3A_137, %mul3A_133 : vector<16xf32>
      %sub3A_139 = arith.constant 1.500000e+00 : f32
      %sub3A_140 = vector.broadcast %sub3A_139 : f32 to vector<16xf32>
      %sub3A_141 = arith.subf %sub3A_140, %mul3A_138 : vector<16xf32>
      %mul3A_142 = arith.mulf %mul3A_133, %sub3A_141 : vector<16xf32>
      %mul3A_143 = arith.mulf %mul3A_142, %add3A_46 : vector<16xf32>
      %swap3A = arith.constant 0 : index
      %swap3A_144 = tpu.vector_load %arg10[%swap3A] {strides = array<i32>} : memref<16xf32, #tpu.memory_space<vmem>>, vector<16xf32>,
      %swap3A_145 = vector.shape_cast %swap3A_144 : vector<16xf32> to vector<16xf32>
      %swap3A_146 = vector.shape_cast %mul3A_143 : vector<16xf32> to vector<16xf32>
      tpu.vector_store %arg10[%swap3A], %swap3A_146 {strides = array<i32>} : memref<16xf32, #tpu.memory_space<vmem>>, vector<16xf32>,
      "tpu.region"() ({
        %run_scoped3A = tpu.sem_alloc : memref<!tpu.dma_semaphore, #tpu.memory_space<semaphore_mem>>
        %dma_start3A_147 = arith.constant 0 : i32
        %dma_start3A_148 = tpu.memref_slice %arg10[%dma_start3A_147] : memref<16xf32, #tpu.memory_space<vmem>> -> memref<1xf32, #tpu.memory_space<vmem>>
        %dma_start3A_149 = arith.constant 0 : i32
        %dma_start3A_150 = tpu.memref_slice %arg10[%dma_start3A_149] : memref<16xf32, #tpu.memory_space<vmem>> -> memref<1xf32, #tpu.memory_space<vmem>>
        tpu.enqueue_dma source(%dma_start3A_150 : memref<1xf32, #tpu.memory_space<vmem>>) target(%arg5 : memref<1xf32, #tpu.memory_space<hbm>>) target_semaphore(%run_scoped3A : memref<!tpu.dma_semaphore, #tpu.memory_space<semaphore_mem>>)
        %dma_wait3A_151 = arith.constant 0 : i32
        %dma_wait3A_152 = tpu.memref_slice %arg10[%dma_wait3A_151] : memref<16xf32, #tpu.memory_space<vmem>> -> memref<1xf32, #tpu.memory_space<vmem>>
        %dma_wait3A_153 = arith.constant 0 : i32
        %dma_wait3A_154 = tpu.memref_slice %arg10[%dma_wait3A_153] : memref<16xf32, #tpu.memory_space<vmem>> -> memref<1xf32, #tpu.memory_space<vmem>>
        tpu.wait_dma2 semaphore(%run_scoped3A : memref<!tpu.dma_semaphore, #tpu.memory_space<semaphore_mem>>) src(%dma_wait3A_154 : memref<1xf32, #tpu.memory_space<vmem>>) dst(%arg5 : memref<1xf32, #tpu.memory_space<hbm>>)
        tpu.yield
      }) : () -> ()
    } else {
    }
    return
  }
}

</mosaic_0001>

<sc_bundles>
// kernel: kernel.3.cloned.1.call-start
scs
__scs_entry_jumppad:
0x0: {  	(pc) =	sbr.rel $0x88, $3  }
0x1: {  	(tag) =	ssettag $0x0;
	lr =	simm.s32 $0x1  }
0x2: {  	[smem:$0x3F9E] =	sst lr;
	_ =	strace $0xD0000000  }
0x3: {  	_ = 	snop  }
0x4: {  	_ = 	snop  }
0x5: {  	_ = 	snop  }
0x6: {  	_ = 	snop  }
0x7: {  	_ = 	snop  }
__scs_overlays_trampoline_lowered:
0x8: {  	[smem:$0x3FAD] =	sst s0  }
0x9: {  	[smem:$0x3FAE] =	sst s1  }
0xa: {  	[smem:$0x3FAF] =	sst s2  }
0xb: {  	[smem:$0x3FB0] =	sst s3  }
0xc: {  	[smem:$0x3FB1] =	sst s4  }
0xd: {  	[smem:$0x3FB2] =	sst s5  }
0xe: {  	[smem:$0x3FB3] =	sst s6  }
0xf: {  	[smem:$0x3FB4] =	sst s7  }
0x10: {  	[smem:$0x3FB5] =	sst s8  }
0x11: {  	[smem:$0x3FB6] =	sst s9;
	s0 =	simm.s32 @!p0 $0x0  }
0x12: {  	s1 =	sld [smem:$0x3F9C];
	s0 =	simm.s32 @p0 $0x1  }
0x13: {  	[smem:$0x3FB7] =	sst s0;
	s0 =	simm.s32 @!p1 $0x0  }
0x14: {  	s2 =	sld [smem:$0x3F9B];
	s0 =	simm.s32 @p1 $0x1  }
0x15: {  	[smem:$0x3FB8] =	sst s0;
	s0 =	simm.s32 @!p2 $0x0  }
0x16: {  	s3 =	sld [smem:$0x3FDB];
	s0 =	simm.s32 @p2 $0x1  }
0x17: {  	s4 =	simm.s32 $0x1BF5;
	[smem:$0x3FBA] =	sst s0  }
0x18: {  	s0 =	sld [smem:$0x3F9D];
	_ =	swait.ge [sflag:s4], $0x0  }
0x19: {  	s7 =	sld [smem:$0x3F9E]  }
0x1a: {  	s8 =	sadd.s32 $0xFFFFE003, lr  }
0x1b: {  	s9 =	sadd.s32 $0xFFFFFEF7, lr;
	s5 =	simm.s32 $0xFFFFFFFF;
	p2 =	slt.u32 s8, $0xFFFFF086  }
0x1c: {  	p1 =	slt.u32 s9, $0xF7A;
	s5 =	simm.s32 @!p2 $0x0  }
0x1d: {  	s5 =	simm.s32 @p1 $0x1;
	p0 =	seq.s32 s7, s2  }
0x1e: {  	s7 =	smul.u32 @!p0 $0xF7A, s2;
	p2 =	seq.s32 @!p0 s5, $0x0  }
0x1f: {  	s9 =	smul.u32 $0xF7A, s1;
	s8 =	simm.s32 @!p0 $0x1BF5;
	p2 =	por !p2, p0  }
0x20: {  	[sflag:s8] =	ssyncset.s32 @!p0 $0xFFFFF086;
	s6 =	sadd.s32 @!p0 s3, s7;
	s7 =	simm.s32 @!p0 $0x108  }
0x21: {  	s3 =	sadd.s32 s3, s9;
	s6 =	sadd.s32 @!p0 $0x88, s6;
	s7 =	simm.s32 @p2 $0x1082  }
0x22: {  	[simem:s7], [sflag:s8] =	dma.local @!p0 [hbm:s6], $0xF7A  }
0x23: {  	s9 =	sor.u32 $0xD0000000, s2;
	s6 =	simm.s32 $0x108;
	_ =	swait.ge @!p0 [sflag:s8], $0x0  }
0x24: {  	s3 =	sadd.s32 $0x88, s3;
	s6 =	simm.s32 @!p1 $0x1082;
	[sflag:s4] =	ssyncset.s32 $0xFFFFF086  }
0x25: {  	[simem:s6], [sflag:s4] =	dma.local [hbm:s3], $0xF7A  }
0x26: {  	[smem:$0x3F9E] =	sst s1;
	(tag) =	ssettag s2;
	_ =	strace s9  }
0x27: {  	s1 =	sld [smem:$0x3FAE]  }
0x28: {  	s2 =	sld [smem:$0x3FAF]  }
0x29: {  	s4 =	sld [smem:$0x3FB1]  }
0x2a: {  	p0 =	seq.s32 s5, $0x0;
	s5 =	sld [smem:$0x3FB2]  }
0x2b: {  	s6 =	sld [smem:$0x3FB3]  }
0x2c: {  	s7 =	sld [smem:$0x3FB4]  }
0x2d: {  	s3 =	simm.s32 $0x108;
	s8 =	sld [smem:$0x3FB5]  }
0x2e: {  	s3 =	simm.s32 @!p0 $0x1082;
	s9 =	sld [smem:$0x3FB6]  }
0x2f: {  	lr =	sadd.s32 s0, s3;
	s0 =	sld [smem:$0x3FAD]  }
0x30: {  	s3 =	sld [smem:$0x3FB0]  }
0x31: {  	[smem:$0x3FB9] =	sst s10  }
0x32: {  	s10 =	sld [smem:$0x3FB7];
	_ =	sdelay $0x3  }
0x33: {  	p0 =	seq.s32 s10, $0x1;
	s10 =	sld [smem:$0x3FB9];
	_ =	sdelay $0x3  }
0x34: {  	[smem:$0x3FB9] =	sst s10  }
0x35: {  	s10 =	sld [smem:$0x3FB8];
	_ =	sdelay $0x3  }
0x36: {  	p1 =	seq.s32 s10, $0x1;
	s10 =	sld [smem:$0x3FB9];
	_ =	sdelay $0x3  }
0x37: {  	[smem:$0x3FB9] =	sst s10  }
0x38: {  	s10 =	sld [smem:$0x3FBA]  }
0x39: {  	_ = 	snop;
	(pc) =	sbr.ind lr, $3  }
0x3a: {  	_ = 	snop  }
0x3b: {  	_ = 	snop  }
0x3c: {  	p2 =	seq.s32 s10, $0x1;
	s10 =	sld [smem:$0x3FB9]  }
0x3d: {  	_ =	shalt  }
0x3e: {  	_ =	shalt  }
0x3f: {  	_ =	shalt  }
0x40: {  	_ =	shalt  }
0x41: {  	_ =	shalt  }
0x42: {  	_ =	shalt  }
0x43: {  	_ =	shalt  }
0x44: {  	_ =	shalt  }
0x45: {  	_ =	shalt  }
0x46: {  	_ =	shalt  }
0x47: {  	_ =	shalt  }
0x48: {  	_ =	shalt  }
0x49: {  	_ =	shalt  }
0x4a: {  	_ =	shalt  }
0x4b: {  	_ =	shalt  }
0x4c: {  	_ =	shalt  }
0x4d: {  	_ =	shalt  }
0x4e: {  	_ =	shalt  }
0x4f: {  	_ =	shalt  }
0x50: {  	_ =	shalt  }
0x51: {  	_ =	shalt  }
0x52: {  	_ =	shalt  }
0x53: {  	_ =	shalt  }
0x54: {  	_ =	shalt  }
0x55: {  	_ =	shalt  }
0x56: {  	_ =	shalt  }
0x57: {  	_ =	shalt  }
0x58: {  	_ =	shalt  }
0x59: {  	_ =	shalt  }
0x5a: {  	_ =	shalt  }
0x5b: {  	_ =	shalt  }
0x5c: {  	_ =	shalt  }
0x5d: {  	_ =	shalt  }
0x5e: {  	_ =	shalt  }
0x5f: {  	_ =	shalt  }
0x60: {  	_ =	shalt  }
0x61: {  	_ =	shalt  }
0x62: {  	_ =	shalt  }
0x63: {  	_ =	shalt  }
0x64: {  	_ =	shalt  }
0x65: {  	_ =	shalt  }
0x66: {  	_ =	shalt  }
0x67: {  	_ =	shalt  }
0x68: {  	_ =	shalt  }
0x69: {  	_ =	shalt  }
0x6a: {  	_ =	shalt  }
0x6b: {  	_ =	shalt  }
0x6c: {  	_ =	shalt  }
0x6d: {  	_ =	shalt  }
0x6e: {  	_ =	shalt  }
0x6f: {  	_ =	shalt  }
0x70: {  	_ =	shalt  }
0x71: {  	_ =	shalt  }
0x72: {  	_ =	shalt  }
0x73: {  	_ =	shalt  }
0x74: {  	_ =	shalt  }
0x75: {  	_ =	shalt  }
0x76: {  	_ =	shalt  }
0x77: {  	_ =	shalt  }
0x78: {  	_ =	shalt  }
0x79: {  	_ =	shalt  }
0x7a: {  	_ =	shalt  }
0x7b: {  	_ =	shalt  }
0x7c: {  	_ =	shalt  }
0x7d: {  	_ =	shalt  }
0x7e: {  	_ =	shalt  }
0x7f: {  	_ =	shalt  }
0x80: {  	_ =	shalt  }
0x81: {  	_ =	shalt  }
0x82: {  	_ =	shalt  }
0x83: {  	_ =	shalt  }
0x84: {  	_ =	shalt  }
0x85: {  	_ =	shalt  }
0x86: {  	_ =	shalt  }
0x87: {  	_ =	shalt  }
.Lfunc_end0:
.L_simem_size_0:
called_computation_lowered:
.L_overlay_start_0:
0x88: {  	s0 =	sld [smem:$0x3FD9]  }
0x89: {  	s1 =	sld [smem:$0x3FFE];
	_ =	sdelay $0x3  }
0x8a: {  	s0 =	sadd.s32 s1, s0  }
0x8b: {  	[smem:$0x3FC5] =	sst s0  }
0x8c: {  	_ = 	snop  }
0x8d: {  	s0 =	sld [smem:$0x3FC9]  }
0x8e: {  	s17 =	sld [smem:$0x3FC8]  }
0x8f: {  	s2 =	sld [smem:$0x3FC7]  }
0x90: {  	s3 =	sld [smem:$0x3FD0];
	(tm) =	ssettm $0x1  }
0x91: {  	s4 =	sld [smem:$0x3FFB];
	_ =	sdelay $0x3  }
0x92: {  	_ =	strace s4  }
0x93: {  	s4 =	sld [smem:$0x3FFC];
	_ =	sdelay $0x3  }
0x94: {  	_ =	strace s4  }
0x95: {  	s4 =	sld [smem:$0x3FFD];
	_ =	sdelay $0x3  }
0x96: {  	_ =	strace s4  }
0x97: {  	_ =	strace $0x8FFFFFFF  }
0x98: {  	s18 =	sld [smem:$0x3FDB];
	_ =	sdelay $0x1  }
0x99: {  	s5 =	simm.s32 $_scs_section_size  }
0x9a: {  	s6 =	simm.s32 $_size__tile_overlayer_lowered;
	s7 =	simm.s32 $_tile_overlayer_lowered  }
0x9b: {  	s21 =	simm.s32 $0x1BFF;
	s20 =	sshll.u32 s7, $0x1;
	s4 =	sadd.s32 s5, s18  }
0x9c: {  	s8 =	simm.s32 $0x0;
	s19 =	sshll.u32 s6, $0x1;
	s6 =	sadd.s32 s20, s4  }
0x9d: {  	[timem:s8], [sflag:s21] =	dma.local [hbm:s6], s19  }
0x9e: {  	_ =	swait.ge [sflag:s21], s19  }
0x9f: {  	s5 =	ssub.s32 $0x0, s19;
	[sflag:s21] =	ssyncset.done $0x0  }
0xa0: {  	[sflag:s21] =	ssyncadd.s32 s5;
	_ =	sdelay $0x1  }
0xa1: {  	s22 =	simm.s32 $0x1B8B  }
0xa2: {  	_ =	swait.ge [sflag:s22], $0x1  }
0xa3: {  	[sflag:s22] =	ssyncset.done $0x0  }
0xa4: {  	s23 =	simm.s32 $0x1B8E;
	[sflag:s22] =	ssyncadd.s32 $0xFFFFFFFF  }
0xa5: {  	s24 =	simm.s32 $execute0_lowered;
	[smem:$0x3FD2] =	sst s23  }
0xa6: {  	s5 =	sshll.u32 s24, $0x1;
	_ =	strace $0x80000046;
	[dreg:$0x1] =	wrdreg $0xFFFFFFFF  }
0xa7: {  	s25 =	simm.s32 $_size_execute0_lowered;
	s4 =	sadd.s32 s4, s5;
	[dreg:$0x0] =	wrdreg $0x0  }
0xa8: {  	s5 =	sshll.u32 s25, $0x1;
	[dreg:$0x2] =	wrdreg s4  }
0xa9: {  	[dreg:$0x3] =	wrdreg s5  }
0xaa: {  	[dreg:$0x4] =	wrdreg $0xC0  }
0xab: {  	_ =	task [dreg:s8], $0x5FFFF  }
0xac: {  	[dreg:$0x1] =	wrdreg $0xFFFFFFFF  }
0xad: {  	[dreg:$0x0] =	wrdreg $0x60  }
0xae: {  	[dreg:$0x2] =	wrdreg s0  }
0xaf: {  	[dreg:$0x3] =	wrdreg s17  }
0xb0: {  	[dreg:$0x4] =	wrdreg s2  }
0xb1: {  	[dreg:$0x5] =	wrdreg s3  }
0xb2: {  	[dreg:$0x6] =	wrdreg $0x9  }
0xb3: {  	_ =	task.clear_ibuf [dreg:s8], $0x7FFFF;
	_ =	strace $0x90000046  }
0xb4: {  	s26 =	simm.s32 $0x9;
	_ =	strace $0x80000048  }
0xb5: {  	_ =	swait.ge [sflag:s26], $0x1  }
0xb6: {  	[sflag:s26] =	ssyncadd.s32 $0xFFFFFFFF  }
0xb7: {  	_ =	strace $0x90000048  }
0xb8: {  	_ =	sfence  }
0xb9: {  	s28 =	sld [smem:$0x0];
	_ =	sdelay $0x1  }
0xba: {  	s29 =	srdreg.scid  }
0xbb: {  	s30 =	sshll.u32 s29, $0xD;
	s31 =	sshrl.u32 s29, $0x2  }
0xbc: {  	s1 =	sand.u32 $0x1, s29;
	s2 =	sand.u32 $0x4000, s30;
	s0 =	sadd.s32 s31, s28  }
0xbd: {  	s1 =	sor.u32 s2, s1;
	s0 =	sshll.u32 s0, $0x11  }
0xbe: {  	s0 =	sor.u32 s0, s1  }
0xbf: {  	s0 =	sadd.s32 $0x8F2B, s0  }
0xc0: {  	[sflag:s0] =	ssyncadd.remote.s32 $0x1  }
0xc1: {  	_ =	sfence.sel $0xFFFF  }
0xc2: {  	[dreg:$0x0] =	wrdreg $0xFFFFFFFF;
	(pc) =	sbr.abs _section_cstart, $3  }
0xc3: {  	[dreg:$0x1] =	wrdreg $0xFFFFFFFF  }
0xc4: {  	_ =	task.clear_ibuf [dreg:s8], $0x2FFFF;
	_ =	strace $0x9FFFFFFF  }
0xc5: {  	(tm) =	ssettm $0x7FFFFFFF  }
tec
execute0_lowered:
.L_overlay_start_1:
0x0: {  	(tag) =	ssettag $0x1  }
0x1: {  	s2 =	rddreg [dreg:$0x0]  }
0x2: {  	s4 =	rddreg [dreg:$0x1]  }
0x3: {  	s3 =	rddreg [dreg:$0x2]  }
0x4: {  	s1 =	rddreg [dreg:$0x3];
	s5 =	stileid.u32  }
0x5: {  	s0 =	rddreg [dreg:$0x4];
	_ =	strace $0x80000047;
	p0 =	sne.s32 s5, $0x0  }
0x6: {  	_ =	sfence.sel @p0 $0x180000  }
0x7: {  	[bflag:$0x0] =	sbarrier.arrive @p0 $0xFFFF  }
0x8: {  	_ =	strace @p0 $0x90000047  }
0x9: {  	[bflag:$0x2] =	sbarrier.arrive @p0 $0xFFFF  }
0xa: {  	_ =	shalt @p0  }
.LBB2_1:
0xb: {  	s5 =	simm.s32 $0x0  }
0xc: {  	[tilespmem:s5], [sflag:$0x1] =	stream.linear.gather [hbm4b:s4+s5], $0x80, $0x38;
	[tilespmem:$0x1980] =	vst v63  }
0xd: {  	s26 =	simm.s32 $0x80;
	s28 =	simm.s32 $0x1  }
0xe: {  	[tilespmem:s26], [sflag:$0x2] =	stream.linear.gather [hbm4b:s3+s5], $0x80, $0x38;
	[tilespmem:$0x1980] =	vst v63  }
0xf: {  	_ =	swait.ge [sflag:s28], $0x80  }
0x10: {  	s6 =	simm.s32 $0x14;
	[sflag:s28] =	ssyncset.done $0x0  }
0x11: {  	s7 =	simm.s32 $0x100;
	s29 =	simm.s32 $0x2;
	[sflag:s28] =	ssyncadd.s32 $0xFFFFFF80  }
0x12: {  	[tilespmem:s7], [sflag:$0x1] =	stream.indirect.gather [hbm4b:s2+s6], $0x80, s5, s6, $0xb8;
	[tilespmem:$0x1980] =	vst v63  }
0x13: {  	_ =	swait.ge [sflag:s29], $0x80  }
0x14: {  	[sflag:s29] =	ssyncset.done $0x0  }
0x15: {  	s30 =	simm.s32 $0xD00;
	[sflag:s29] =	ssyncadd.s32 $0xFFFFFF80  }
0x16: {  	[tilespmem:s30], [sflag:$0x2] =	stream.indirect.gather [hbm4b:s2+s6], $0x80, s26, s6, $0xb8;
	[tilespmem:$0x1980] =	vst v63  }
0x17: {  	_ =	swait.ge [sflag:s28], $0xA00  }
0x18: {  	[sflag:s28] =	ssyncset.done $0x0  }
0x19: {  	[sflag:s28] =	ssyncadd.s32 $0xFFFFF600  }
0x1a: {  	_ =	swait.ge [sflag:s29], $0xA00  }
0x1b: {  	[sflag:s29] =	ssyncset.done $0x0  }
0x1c: {  	s31 =	simm.s32 $0xFFFFFF80;
	[sflag:s29] =	ssyncadd.s32 $0xFFFFF600  }
0x1d: {  	v0 =	vld [tilespmem:s31+$0xD80]  }
0x1e: {  	v1 =	vld [tilespmem:s31+$0xE00]  }
0x1f: {  	v2 =	vld [tilespmem:s31+$0x180]  }
0x20: {  	v3 =	vld [tilespmem:s31+$0xE80]  }
0x21: {  	v4 =	vld [tilespmem:s31+$0x200]  }
0x22: {  	v5 =	vld [tilespmem:s31+$0xF00]  }
0x23: {  	v0 =	vmul.f32 v1, v0;
	v1 =	vld [tilespmem:s31+$0x280]  }
0x24: {  	v6 =	vld [tilespmem:s31+$0xF80]  }
0x25: {  	v0 =	vmul.f32 v3, v0;
	v3 =	vld [tilespmem:s31+$0x300]  }
0x26: {  	v2 =	vmul.f32 v4, v2;
	v4 =	vld [tilespmem:s31+$0x1000]  }
0x27: {  	v0 =	vmul.f32 v5, v0;
	v5 =	vld [tilespmem:s31+$0x380]  }
0x28: {  	v1 =	vmul.f32 v1, v2;
	v2 =	vld [tilespmem:s31+$0x1080]  }
0x29: {  	v0 =	vmul.f32 v6, v0;
	v6 =	vld [tilespmem:s31+$0x400]  }
0x2a: {  	v1 =	vmul.f32 v3, v1;
	v3 =	vld [tilespmem:s31+$0x1100]  }
0x2b: {  	v0 =	vmul.f32 v4, v0;
	v4 =	vld [tilespmem:s31+$0x480]  }
0x2c: {  	v1 =	vmul.f32 v5, v1;
	v5 =	vld [tilespmem:s31+$0x1180]  }
0x2d: {  	v0 =	vmul.f32 v2, v0;
	v2 =	vld [tilespmem:s31+$0x500]  }
0x2e: {  	v1 =	vmul.f32 v6, v1;
	v6 =	vld [tilespmem:s31+$0x1200]  }
0x2f: {  	v0 =	vmul.f32 v3, v0;
	v3 =	vld [tilespmem:s31+$0x580]  }
0x30: {  	v1 =	vmul.f32 v4, v1;
	v4 =	vld [tilespmem:s31+$0x1280]  }
0x31: {  	v0 =	vmul.f32 v5, v0;
	v5 =	vld [tilespmem:s31+$0x600]  }
0x32: {  	v1 =	vmul.f32 v2, v1;
	v2 =	vld [tilespmem:s31+$0x1300]  }
0x33: {  	v0 =	vmul.f32 v6, v0;
	v6 =	vld [tilespmem:s31+$0x680]  }
0x34: {  	v1 =	vmul.f32 v3, v1;
	v3 =	vld [tilespmem:s31+$0x1380]  }
0x35: {  	v0 =	vmul.f32 v4, v0;
	v4 =	vld [tilespmem:s31+$0x700]  }
0x36: {  	v1 =	vmul.f32 v5, v1;
	v5 =	vld [tilespmem:s31+$0x1400]  }
0x37: {  	v0 =	vmul.f32 v2, v0;
	v2 =	vld [tilespmem:s31+$0x780]  }
0x38: {  	v1 =	vmul.f32 v6, v1;
	v6 =	vld [tilespmem:s31+$0x1480]  }
0x39: {  	v0 =	vmul.f32 v3, v0;
	v3 =	vld [tilespmem:s31+$0x800]  }
0x3a: {  	v1 =	vmul.f32 v4, v1;
	v4 =	vld [tilespmem:s31+$0x1500]  }
0x3b: {  	v0 =	vmul.f32 v5, v0;
	v5 =	vld [tilespmem:s31+$0x880]  }
0x3c: {  	v1 =	vmul.f32 v2, v1;
	v2 =	vld [tilespmem:s31+$0x1580]  }
0x3d: {  	v7 =	vld [tilespmem:s31+$0x900];
	v0 =	vmul.f32 v6, v0  }
0x3e: {  	v8 =	vld [tilespmem:s31+$0x1600];
	v1 =	vmul.f32 v3, v1  }
0x3f: {  	v0 =	vmul.f32 v4, v0;
	v4 =	vld [tilespmem:s31+$0x980]  }
0x40: {  	v10 =	vld [tilespmem:s31+$0x1680];
	v1 =	vmul.f32 v5, v1  }
0x41: {  	v6 =	vld [tilespmem:s31+$0xA00];
	v0 =	vmul.f32 v2, v0  }
0x42: {  	v3 =	vld [tilespmem:s31+$0x1700];
	v2 =	vmul.f32 v7, v1  }
0x43: {  	s2 =	simm.s32 $0xFFFFFF90;
	v5 =	vld [tilespmem:s31+$0xA80];
	v0 =	vmul.f32 v8, v0  }
0x44: {  	v9 =	vld [tilespmem:s2+$0xD80];
	v1 =	vimm.f32 $0.0e+00;
	v8 =	vmul.f32 v4, v2  }
0x45: {  	s3 =	simm.s32 $0xFFFFFE80;
	v4 =	vld [tilespmem:s31+$0xB00];
	v2 =	vimm.f32 $0.0e+00;
	v7 =	vmul.f32 v10, v0;
	v0 =	vimm.f32 $0.0e+00  }
.LBB2_2:
0x46: {  	p0 =	sne.s32 s3, $0xFFFFFFC0;
	v10 =	vld [tilespmem:s2+$0xE00];
	v6 =	vmul.f32 v6, v8  }
0x47: {  	v8 =	vld [tilespmem:s2+$0x180];
	v3 =	vmul.f32 v3, v7  }
0x48: {  	v7 =	vld [tilespmem:s2+$0xE80];
	v5 =	vmul.f32 v5, v6  }
0x49: {  	v6 =	vld [tilespmem:s2+$0x200];
	v11 =	vmul.f32 v3, v3  }
0x4a: {  	v12 =	vld [tilespmem:s2+$0xF00];
	v4 =	vmul.f32 v4, v5  }
0x4b: {  	v5 =	vmul.f32 v10, v9;
	v9 =	vld [tilespmem:s2+$0x280];
	v1 =	vadd.f32 v11, v1  }
0x4c: {  	v10 =	vld [tilespmem:s2+$0xF80];
	v3 =	vmul.f32 v3, v4;
	v4 =	vmul.f32 v4, v4  }
0x4d: {  	v5 =	vmul.f32 v7, v5;
	v7 =	vld [tilespmem:s2+$0x300]  }
0x4e: {  	v6 =	vmul.f32 v6, v8;
	v8 =	vld [tilespmem:s2+$0x1000];
	v0 =	vadd.f32 v3, v0;
	v2 =	vadd.f32 v4, v2  }
0x4f: {  	v3 =	vmul.f32 v12, v5;
	v4 =	vld [tilespmem:s2+$0x380]  }
0x50: {  	v5 =	vmul.f32 v9, v6;
	v6 =	vld [tilespmem:s2+$0x1080]  }
0x51: {  	v3 =	vmul.f32 v10, v3;
	v9 =	vld [tilespmem:s2+$0x400]  }
0x52: {  	v5 =	vmul.f32 v7, v5;
	v7 =	vld [tilespmem:s2+$0x1100]  }
0x53: {  	v3 =	vmul.f32 v8, v3;
	v8 =	vld [tilespmem:s2+$0x480]  }
0x54: {  	v4 =	vmul.f32 v4, v5;
	v5 =	vld [tilespmem:s2+$0x1180]  }
0x55: {  	v3 =	vmul.f32 v6, v3;
	v6 =	vld [tilespmem:s2+$0x500]  }
0x56: {  	v4 =	vmul.f32 v9, v4;
	v9 =	vld [tilespmem:s2+$0x1200]  }
0x57: {  	v3 =	vmul.f32 v7, v3;
	v7 =	vld [tilespmem:s2+$0x580]  }
0x58: {  	v4 =	vmul.f32 v8, v4;
	v8 =	vld [tilespmem:s2+$0x1280]  }
0x59: {  	v3 =	vmul.f32 v5, v3;
	v5 =	vld [tilespmem:s2+$0x600]  }
0x5a: {  	v4 =	vmul.f32 v6, v4;
	v6 =	vld [tilespmem:s2+$0x1300]  }
0x5b: {  	v3 =	vmul.f32 v9, v3;
	v9 =	vld [tilespmem:s2+$0x680]  }
0x5c: {  	v4 =	vmul.f32 v7, v4;
	v7 =	vld [tilespmem:s2+$0x1380]  }
0x5d: {  	v3 =	vmul.f32 v8, v3;
	v8 =	vld [tilespmem:s2+$0x700]  }
0x5e: {  	v4 =	vmul.f32 v5, v4;
	v5 =	vld [tilespmem:s2+$0x1400]  }
0x5f: {  	v3 =	vmul.f32 v6, v3;
	v6 =	vld [tilespmem:s2+$0x780]  }
0x60: {  	v4 =	vmul.f32 v9, v4;
	v9 =	vld [tilespmem:s2+$0x1480]  }
0x61: {  	v3 =	vmul.f32 v7, v3;
	v7 =	vld [tilespmem:s2+$0x800]  }
0x62: {  	v4 =	vmul.f32 v8, v4;
	v8 =	vld [tilespmem:s2+$0x1500]  }
0x63: {  	v3 =	vmul.f32 v5, v3;
	v5 =	vld [tilespmem:s2+$0x880]  }
0x64: {  	v4 =	vmul.f32 v6, v4;
	v6 =	vld [tilespmem:s2+$0x1580]  }
0x65: {  	v3 =	vmul.f32 v9, v3;
	v9 =	vld [tilespmem:s2+$0x900]  }
0x66: {  	v4 =	vmul.f32 v7, v4;
	v7 =	vld [tilespmem:s2+$0x1600]  }
0x67: {  	v3 =	vmul.f32 v8, v3;
	v8 =	vld [tilespmem:s2+$0x980]  }
0x68: {  	v4 =	vmul.f32 v5, v4;
	v10 =	vld [tilespmem:s2+$0x1680]  }
.Ltmp0:
0x69: {  	v5 =	vmul.f32 v6, v3;
	v6 =	vld [tilespmem:s2+$0xA00];
	(pc) =	sbr.rel @p0 .LBB2_2-.Ltmp0, $4  }
0x6a: {  	v4 =	vmul.f32 v9, v4;
	v3 =	vld [tilespmem:s2+$0x1700]  }
0x6b: {  	v7 =	vmul.f32 v7, v5;
	v5 =	vld [tilespmem:s2+$0xA80]  }
0x6c: {  	v8 =	vmul.f32 v8, v4;
	v4 =	vld [tilespmem:s2+$0xB00];
	s2 =	sshra.s32 s3, $0x2  }
0x6d: {  	s3 =	sadd.s32 $0x40, s3;
	v9 =	vld [tilespmem:s2+$0xD80];
	v7 =	vmul.f32 v10, v7  }
0x6e: {  	v10 =	vld [tilespmem:s2+$0xE00]  }
0x6f: {  	v11 =	vld [tilespmem:s2+$0x180]  }
0x70: {  	v12 =	vld [tilespmem:s2+$0x200]  }
0x71: {  	v13 =	vld [tilespmem:s2+$0xE80]  }
0x72: {  	v14 =	vld [tilespmem:s2+$0x280]  }
0x73: {  	v15 =	vld [tilespmem:s2+$0xF00]  }
0x74: {  	v45 =	vld [tilespmem:s2+$0x300]  }
0x75: {  	v46 =	vld [tilespmem:s2+$0xF80];
	v9 =	vmul.f32 v10, v9;
	v11 =	vmul.f32 v12, v11  }
0x76: {  	v47 =	vld [tilespmem:s2+$0x380]  }
0x77: {  	v48 =	vld [tilespmem:s2+$0x1000];
	v9 =	vmul.f32 v13, v9;
	v11 =	vmul.f32 v14, v11  }
0x78: {  	v49 =	vld [tilespmem:s2+$0x400]  }
0x79: {  	v50 =	vld [tilespmem:s2+$0x1080];
	v9 =	vmul.f32 v15, v9;
	v10 =	vmul.f32 v45, v11  }
0x7a: {  	v51 =	vld [tilespmem:s2+$0x480]  }
0x7b: {  	v52 =	vld [tilespmem:s2+$0x1100];
	v9 =	vmul.f32 v46, v9;
	v10 =	vmul.f32 v47, v10  }
0x7c: {  	v53 =	vld [tilespmem:s2+$0x500]  }
0x7d: {  	v54 =	vld [tilespmem:s2+$0x1180];
	v9 =	vmul.f32 v48, v9;
	v10 =	vmul.f32 v49, v10  }
0x7e: {  	v55 =	vld [tilespmem:s2+$0x580]  }
0x7f: {  	v56 =	vld [tilespmem:s2+$0x1200];
	v9 =	vmul.f32 v50, v9;
	v10 =	vmul.f32 v51, v10  }
0x80: {  	v57 =	vld [tilespmem:s2+$0x600]  }
0x81: {  	v58 =	vld [tilespmem:s2+$0x1280];
	v9 =	vmul.f32 v52, v9;
	v10 =	vmul.f32 v53, v10  }
0x82: {  	v59 =	vld [tilespmem:s2+$0x680]  }
0x83: {  	v60 =	vld [tilespmem:s2+$0x1300];
	v9 =	vmul.f32 v54, v9;
	v10 =	vmul.f32 v55, v10  }
0x84: {  	v61 =	vld [tilespmem:s2+$0x700]  }
0x85: {  	v62 =	vld [tilespmem:s2+$0x1380];
	v9 =	vmul.f32 v56, v9;
	v10 =	vmul.f32 v57, v10  }
0x86: {  	v63 =	vld [tilespmem:s2+$0x780]  }
0x87: {  	v18 =	vld [tilespmem:s2+$0x1400];
	v9 =	vmul.f32 v58, v9;
	v10 =	vmul.f32 v59, v10  }
0x88: {  	v19 =	vld [tilespmem:s2+$0x800]  }
0x89: {  	v20 =	vld [tilespmem:s2+$0x1480];
	v9 =	vmul.f32 v60, v9;
	v10 =	vmul.f32 v61, v10  }
0x8a: {  	v21 =	vld [tilespmem:s2+$0x880]  }
0x8b: {  	v22 =	vld [tilespmem:s2+$0x1500];
	v9 =	vmul.f32 v62, v9;
	v10 =	vmul.f32 v63, v10  }
0x8c: {  	v23 =	vld [tilespmem:s2+$0x900]  }
0x8d: {  	v24 =	vld [tilespmem:s2+$0x1580];
	v9 =	vmul.f32 v18, v9;
	v10 =	vmul.f32 v19, v10  }
0x8e: {  	v25 =	vld [tilespmem:s2+$0x980]  }
0x8f: {  	v26 =	vld [tilespmem:s2+$0x1600];
	v9 =	vmul.f32 v20, v9;
	v10 =	vmul.f32 v21, v10  }
0x90: {  	v28 =	vld [tilespmem:s2+$0xA00]  }
0x91: {  	v29 =	vld [tilespmem:s2+$0x1680];
	v27 =	vmul.f32 v22, v9;
	v10 =	vmul.f32 v23, v10  }
0x92: {  	v6 =	vmul.f32 v6, v8;
	v31 =	vld [tilespmem:s2+$0xA80]  }
0x93: {  	v32 =	vld [tilespmem:s2+$0x1700];
	v30 =	vmul.f32 v24, v27;
	v10 =	vmul.f32 v25, v10  }
0x94: {  	v34 =	vld [tilespmem:s2+$0xB00];
	v37 =	vimm.s32 $0xFEDCBA98;
	v5 =	vmul.f32 v5, v6  }
0x95: {  	v38 =	vimm.s32 $0x76543210;
	v33 =	vmul.f32 v26, v30;
	v9 =	vmul.f32 v28, v10  }
0x96: {  	v39 =	vimm.s32 $0xBA98FEDC;
	v3 =	vmul.f32 v3, v7;
	v4 =	vmul.f32 v4, v5  }
0x97: {  	v40 =	vimm.s32 $0x32107654;
	v5 =	vmul.f32 v29, v33;
	v8 =	vmul.f32 v31, v9  }
0x98: {  	v7 =	vunpack.c.l.s4.s8 v37;
	v35 =	vmul.f32 v3, v3;
	v36 =	vmul.f32 v4, v4  }
0x99: {  	v5 =	vmul.f32 v32, v5;
	v6 =	vmul.f32 v34, v8;
	v8 =	vunpack.c.l.s4.s8 v38  }
0x9a: {  	v7 =	vunpack.c.0.s8.s32 v7;
	v1 =	vadd.f32 v35, v1;
	v2 =	vadd.f32 v36, v2  }
0x9b: {  	v41 =	vmul.f32 v5, v5;
	v42 =	vmul.f32 v6, v6;
	v8 =	vunpack.c.0.s8.s32 v8  }
0x9c: {  	v7 =	vand.u32 $0xF, v7;
	v10 =	vunpack.c.l.s4.s8 v40;
	v9 =	vunpack.c.l.s4.s8 v39  }
0x9d: {  	v1 =	vadd.f32 v41, v1;
	v2 =	vadd.f32 v42, v2;
	v7 =	vcombine.low v7, v8  }
0x9e: {  	v44 =	vimm.s32 $0xDCFE98BA;
	v10 =	vunpack.c.0.s8.s32 v10;
	v9 =	vunpack.c.0.s8.s32 v9  }
0x9f: {  	v45 =	vimm.s32 $0x54761032;
	v46 =	vperm.xlane v2, v7;
	v47 =	vperm.xlane v1, v7  }
0xa0: {  	v43 =	vcombine.low v10, v9;
	v9 =	vunpack.c.l.s4.s8 v44;
	v10 =	vunpack.c.l.s4.s8 v45  }
0xa1: {  	v48 =	vimm.s32 $0xEFCDAB89;
	v2 =	vadd.f32 v46, v2;
	v1 =	vadd.f32 v47, v1  }
0xa2: {  	v8 =	vand.u32 $0xF, v43;
	v9 =	vunpack.c.0.s8.s32 v9;
	v10 =	vunpack.c.0.s8.s32 v10  }
0xa3: {  	v49 =	vimm.s32 $0x67452301;
	v50 =	vperm.xlane v2, v8;
	v51 =	vperm.xlane v1, v8  }
0xa4: {  	v52 =	vunpack.c.l.s4.s8 v48;
	v53 =	vunpack.c.l.s4.s8 v49;
	v9 =	vcombine.low v10, v9  }
0xa5: {  	v2 =	vadd.f32 v50, v2;
	v1 =	vadd.f32 v51, v1  }
0xa6: {  	v11 =	vunpack.c.0.s8.s32 v53;
	v10 =	vunpack.c.0.s8.s32 v52;
	v9 =	vand.u32 $0xF, v9  }
0xa7: {  	v54 =	vperm.xlane v2, v9;
	v55 =	vperm.xlane v1, v9  }
0xa8: {  	v10 =	vcombine.low v11, v10  }
0xa9: {  	v2 =	vadd.f32 v54, v2;
	v1 =	vadd.f32 v55, v1  }
0xaa: {  	v10 =	vand.u32 $0xF, v10  }
0xab: {  	v56 =	vperm.xlane v2, v10;
	v57 =	vperm.xlane v1, v10;
	_ =	sdelay $0x1  }
0xac: {  	v2 =	vadd.f32 v56, v2;
	v1 =	vadd.f32 v57, v1;
	_ =	sdelay $0x1  }
0xad: {  	v1 =	vmul.f32 v1, v2;
	_ =	sdelay $0x1  }
0xae: {  	v2 =	vshrl.u32 v1, $0x1;
	v1 =	vmul.f32 $5.000000000e-01, v1  }
0xaf: {  	v2 =	vsub.s32 $0x5F3759DF, v2  }
0xb0: {  	v58 =	vmul.f32 v2, v1;
	_ =	sdelay $0x1  }
0xb1: {  	v3 =	vmul.f32 v3, v4;
	v59 =	vmul.f32 v2, v58;
	_ =	sdelay $0x1  }
0xb2: {  	v0 =	vadd.f32 v3, v0;
	v60 =	vmul.f32 v5, v6;
	v4 =	vsub.f32 $1.500000000e+00, v59;
	_ =	sdelay $0x1  }
0xb3: {  	v0 =	vadd.f32 v60, v0;
	v2 =	vmul.f32 v2, v4;
	_ =	sdelay $0x1  }
0xb4: {  	v3 =	vperm.xlane v0, v7;
	v4 =	vmul.f32 v2, v1;
	_ =	sdelay $0x1  }
0xb5: {  	v0 =	vadd.f32 v3, v0;
	v61 =	vmul.f32 v4, v2;
	_ =	sdelay $0x1  }
0xb6: {  	v62 =	vperm.xlane v0, v8;
	v3 =	vsub.f32 $1.500000000e+00, v61;
	_ =	sdelay $0x1  }
0xb7: {  	v0 =	vadd.f32 v62, v0;
	v2 =	vmul.f32 v3, v2;
	_ =	sdelay $0x1  }
0xb8: {  	v63 =	vperm.xlane v0, v9;
	v1 =	vmul.f32 v2, v1;
	_ =	sdelay $0x1  }
0xb9: {  	v0 =	vadd.f32 v63, v0;
	v1 =	vmul.f32 v1, v2;
	_ =	sdelay $0x1  }
0xba: {  	v3 =	vperm.xlane v0, v10;
	v1 =	vsub.f32 $1.500000000e+00, v1;
	_ =	sdelay $0x1  }
0xbb: {  	v0 =	vadd.f32 v3, v0;
	v1 =	vmul.f32 v1, v2;
	_ =	sdelay $0x1  }
0xbc: {  	v0 =	vmul.f32 v1, v0;
	_ =	sdelay $0x1  }
0xbd: {  	s30 =	simm.s32 $0x0;
	s3 =	simm.s32 $0x1900;
	s31 =	simm.s32 $0x3;
	[tilespmem:$0x1900] =	vst v0  }
0xbe: {  	[hbm4b:s1+s30] =	stream.linear.scatter [tilespmem:s3], [sflag:$0x3], $0x1, $0x38;
	[tilespmem:$0x1980] =	vst v63  }
0xbf: {  	_ =	swait.ge [sflag:s31], $0x1  }
0xc0: {  	[sflag:s31] =	ssyncset.done $0x0  }
0xc1: {  	[sflag:s31] =	ssyncadd.s32 $0xFFFFFFFF  }
0xc2: {  	_ =	sfence.sel $0x180000  }
0xc3: {  	[bflag:$0x0] =	sbarrier.arrive $0xFFFF  }
0xc4: {  	_ =	strace $0x90000047  }
0xc5: {  	s0 =	sadd.s32 $0x100000, s0;
	[bflag:$0x2] =	sbarrier.arrive $0xFFFF  }
0xc6: {  	[sflag:s0] =	ssyncadd.tile.s32 $0x1;
	_ =	shalt  }
.Lfunc_end2:
_tile_overlayer_lowered:
.L_overlay_start_2:
0xc7: {  	(tag) =	ssettag $0x2  }
0xc8: {  	s0 =	rddreg [dreg:$0x0];
	s2 =	stileid.u32  }
0xc9: {  	s1 =	rddreg [dreg:$0x1];
	p0 =	sne.s32 s2, $0x0  }
0xca: {  	s3 =	rddreg [dreg:$0x2];
	[bflag:$0x3] =	sbarrier.arrive $0xFFFF;
	s2 =	simm.s32 @!p0 $0x1C03  }
0xcb: {  	[timem:s3], [sflag:s2] =	dma.local @!p0 [hbm:s0], s1  }
0xcc: {  	s0 =	simm.s32 @!p0 $0x3  }
0xcd: {  	_ =	swait.ge @!p0 [sflag:s0], s1  }
0xce: {  	s1 =	ssub.s32 @!p0 $0x0, s1;
	[sflag:s0] =	ssyncset.done @!p0 $0x0  }
0xcf: {  	[sflag:s0] =	ssyncadd.s32 @!p0 s1  }
0xd0: {  	[bflag:$0x3] =	sbarrier.arrive $0xFFFF  }
0xd1: {  	_ =	shalt  }

</sc_bundles>
